<compile_context>
chip_gen: v7x
topology: tpu7x:2x2x1
jax: 0.10.2.dev20260603
libtpu: 0.0.44.dev20260713+nightly
codegen_flags: <defaults>
</compile_context>

<pallas_src>
import functools

import jax
import jax.numpy as jnp
from jax import lax
from jax.experimental import pallas as pl
from jax.experimental.pallas import tpu as pltpu
from jax.experimental.pallas import tpu_sc as plsc

_FEATURES = 2048
_K = 8
_XMIN = -3.0
_XMAX = 3.0
_DELTA = (_XMAX - _XMIN) / float(_K - 1)
_INV_DELTA = 1.0 / _DELTA
_POS_OFF = -_XMIN * _INV_DELTA
_POS_MAX = float(_K - 1)

_NC = 2
_NS = 16
_NW = _NC * _NS
_LANES = 16

_TAB_PAD = _FEATURES * _K + _LANES


def _sc_body(n_chunks, ch_elems, x_hbm, tab_hbm, out_hbm, tab_v, buf):
    wid = lax.axis_index("s") * _NC + lax.axis_index("c")
    base = wid * (n_chunks * ch_elems)
    pltpu.sync_copy(tab_hbm, tab_v)
    iota8 = lax.iota(jnp.int32, _LANES) * _K
    n_vec = ch_elems // _LANES
    vec_per_row = _FEATURES // _LANES

    def chunk_body(c, carry):
        off = base + c * ch_elems
        pltpu.sync_copy(x_hbm.at[pl.ds(off, ch_elems)], buf)

        @plsc.parallel_loop(0, n_vec, 1, unroll=8)
        def _(i):
            o16 = pl.multiple_of(i * _LANES, _LANES)
            v = buf[pl.ds(o16, _LANES)]
            pos = jnp.minimum(
                jnp.maximum(v * _INV_DELTA + _POS_OFF, 0.0), _POS_MAX)
            i0 = pos.astype(jnp.int32)
            frac = pos - i0.astype(jnp.float32)
            fbase = lax.rem(i, vec_per_row) * (_LANES * _K)
            idx0 = iota8 + fbase + i0
            y0 = plsc.load_gather(tab_v, [idx0])
            y1 = plsc.load_gather(tab_v, [idx0 + 1])
            buf[pl.ds(o16, _LANES)] = y0 + frac * (y1 - y0)

        pltpu.sync_copy(buf, out_hbm.at[pl.ds(off, ch_elems)])
        return carry

    lax.fori_loop(0, n_chunks, chunk_body, 0)


def _sc_spline(x_flat, tab, ch_rows=32):
    total = x_flat.size
    per_worker = total // _NW
    ch_elems = ch_rows * _FEATURES
    n_chunks = per_worker // ch_elems
    mesh = plsc.VectorSubcoreMesh(
        core_axis_name="c", subcore_axis_name="s",
        num_cores=_NC, num_subcores=_NS)
    fn = pl.kernel(
        functools.partial(_sc_body, n_chunks, ch_elems),
        out_type=jax.ShapeDtypeStruct((total,), jnp.float32),
        mesh=mesh,
        scratch_types=[
            pltpu.VMEM((_TAB_PAD,), jnp.float32),
            pltpu.VMEM((ch_elems,), jnp.float32),
        ],
        compiler_params=pltpu.CompilerParams(needs_layout_passes=False),
    )
    return fn(x_flat, tab)


def _tc_spline_body(x_ref, ky_ref, o_ref):
    x = x_ref[...]
    xc = jnp.clip(x, _XMIN, _XMAX)
    pos = (xc - _XMIN) * _INV_DELTA
    idx0 = jnp.minimum(pos.astype(jnp.int32), _K - 2)
    frac = pos - idx0.astype(jnp.float32)
    y0 = ky_ref[0:1, :]
    y1 = ky_ref[1:2, :]
    for k in range(1, _K - 1):
        m = idx0 >= k
        y0 = jnp.where(m, ky_ref[k:k + 1, :], y0)
        y1 = jnp.where(m, ky_ref[k + 1:k + 2, :], y1)
    o_ref[...] = y0 + frac * (y1 - y0)


def _tc_spline(flat, kyT, br=512):
    rows = flat.shape[0]
    return pl.pallas_call(
        _tc_spline_body,
        grid=(rows // br,),
        in_specs=[
            pl.BlockSpec((br, _FEATURES), lambda i: (i, 0)),
            pl.BlockSpec((_K, _FEATURES), lambda i: (0, 0)),
        ],
        out_specs=pl.BlockSpec((br, _FEATURES), lambda i: (i, 0)),
        out_shape=jax.ShapeDtypeStruct(flat.shape, flat.dtype),
    )(flat, kyT)


def kernel(x, knot_y):
    tab = jnp.concatenate(
        [knot_y.reshape(-1), jnp.zeros((_LANES,), jnp.float32)])
    out_flat = _sc_spline(x.reshape(-1), tab)
    return out_flat.reshape(x.shape)

# --- scband reference (transcript-rebuilt; emitter-appended) ---
"""Pipeline reference for scband-lightweight-spline-activation-40931038331148 (READ-ONLY COPY).

The authoritative reference and input builder live on the scoring server;
editing this copy changes nothing except your own understanding.
"""

import jax, jax.numpy as jnp
import numpy as np

FEATURES = 2048
NUM_KNOTS = 8
X_MIN = -3.0
X_MAX = 3.0
DELTA = (X_MAX - X_MIN) / float(NUM_KNOTS - 1)


def setup_inputs(seed: int = 0) -> dict:
    key = jax.random.key(seed)
    k_x, = jax.random.split(key, 1)
    x = jax.random.normal(k_x, (4, 8192, FEATURES), dtype=jnp.float32)
    # identity initialization: knot_y[f, k] = knot_x[k]
    knot_x = jnp.linspace(X_MIN, X_MAX, NUM_KNOTS, dtype=jnp.float32)
    knot_y = jnp.tile(knot_x[None, :], (FEATURES, 1))
    return {"x": x, "knot_y": knot_y}


def reference(x, knot_y):
    x_clean = jnp.nan_to_num(x, nan=0.0, posinf=X_MAX, neginf=X_MIN)
    x_clip = jnp.clip(x_clean, X_MIN, X_MAX)
    flat = x_clip.reshape(-1, FEATURES)
    positions = (flat - X_MIN) / DELTA
    idx0 = jnp.clip(jnp.floor(positions).astype(jnp.int32), 0, NUM_KNOTS - 2)
    idx1 = idx0 + 1
    frac = positions - idx0.astype(flat.dtype)
    # per-feature gather: y0[n, f] = knot_y[f, idx0[n, f]]
    feat_idx = jnp.arange(FEATURES, dtype=jnp.int32)[None, :]
    y0 = knot_y[feat_idx, idx0]
    y1 = knot_y[feat_idx, idx1]
    out = y0 + frac * (y1 - y0)
    return out.reshape(x_clip.shape)

if __name__ == "__main__":
    import jax
    _d = setup_inputs()
    print(jax.jit(kernel)(*tuple(_d.values())))

</pallas_src>

<mosaic_0001>
#map = affine_map<(d0, d1) -> (0)>
module attributes {stable_mosaic.version = 14 : i64} {
  func.func @_sc_body(%arg0: i32, %arg1: i32, %arg2: memref<67108864xf32, #tpu.memory_space<hbm>>, %arg3: memref<16400xf32, #tpu.memory_space<hbm>>, %arg4: memref<67108864xf32, #tpu.memory_space<hbm>>, %arg5: memref<16400xf32, #tpu.memory_space<vmem>>, %arg6: memref<65536xf32, #tpu.memory_space<vmem>>) attributes {dimension_semantics = [#tpu.dimension_semantics<core_parallel>, #tpu.dimension_semantics<subcore_parallel>], iteration_bounds = array<i64: 2, 16>, scalar_prefetch = 0 : i64, scratch_operands = 2 : i64, tpu.core_type = #tpu.core_type<sc_vector_subcore>, window_params = [{transform_indices = #map}, {transform_indices = #map}, {transform_indices = #map}]} {
    %mul3A = arith.constant 2 : i32
    %mul3A_0 = arith.muli %arg1, %mul3A : i32
    %add3A = arith.addi %mul3A_0, %arg0 : i32
    %mul3A_1 = arith.constant 2097152 : i32
    %mul3A_2 = arith.muli %add3A, %mul3A_1 : i32
    "tpu.region"() ({
      %run_scoped3A = tpu.sem_alloc : memref<!tpu.dma_semaphore, #tpu.memory_space<semaphore_mem>>
      tpu.enqueue_dma source(%arg3 : memref<16400xf32, #tpu.memory_space<hbm>>) target(%arg5 : memref<16400xf32, #tpu.memory_space<vmem>>) target_semaphore(%run_scoped3A : memref<!tpu.dma_semaphore, #tpu.memory_space<semaphore_mem>>)
      tpu.wait_dma2 semaphore(%run_scoped3A : memref<!tpu.dma_semaphore, #tpu.memory_space<semaphore_mem>>) src(%arg3 : memref<16400xf32, #tpu.memory_space<hbm>>) dst(%arg5 : memref<16400xf32, #tpu.memory_space<vmem>>)
      tpu.yield
    }) : () -> ()
    %iota3A = tpu.iota {dimensions = array<i32: 0>} : vector<16xi32>
    %mul3A_3 = arith.constant 8 : i32
    %mul3A_4 = vector.broadcast %mul3A_3 : i32 to vector<16xi32>
    %mul3A_5 = arith.muli %iota3A, %mul3A_4 : vector<16xi32>
    %scan3A = arith.constant 0 : i32
    %scan3A_6 = arith.constant 0 : i32
    %scan3A_7 = arith.constant 32 : i32
    %scan3A_8 = arith.addi %scan3A_6, %scan3A_7 : i32
    %scan3A_9 = arith.constant 1 : i32
    scf.for %scan3A_11 = %scan3A_6 to %scan3A_8 step %scan3A_9  : i32 {
      %mul3A_12 = arith.constant 65536 : i32
      %mul3A_13 = arith.muli %scan3A_11, %mul3A_12 : i32
      %add3A_14 = arith.addi %mul3A_2, %mul3A_13 : i32
      "tpu.region"() ({
        %run_scoped3A = tpu.sem_alloc : memref<!tpu.dma_semaphore, #tpu.memory_space<semaphore_mem>>
        %dma_start3A = tpu.memref_slice %arg2[%add3A_14] : memref<67108864xf32, #tpu.memory_space<hbm>> -> memref<65536xf32, #tpu.memory_space<hbm>>
        %dma_start3A_17 = tpu.memref_slice %arg2[%add3A_14] : memref<67108864xf32, #tpu.memory_space<hbm>> -> memref<65536xf32, #tpu.memory_space<hbm>>
        tpu.enqueue_dma source(%dma_start3A_17 : memref<65536xf32, #tpu.memory_space<hbm>>) target(%arg6 : memref<65536xf32, #tpu.memory_space<vmem>>) target_semaphore(%run_scoped3A : memref<!tpu.dma_semaphore, #tpu.memory_space<semaphore_mem>>)
        %dma_wait3A = tpu.memref_slice %arg2[%add3A_14] : memref<67108864xf32, #tpu.memory_space<hbm>> -> memref<65536xf32, #tpu.memory_space<hbm>>
        %dma_wait3A_18 = tpu.memref_slice %arg2[%add3A_14] : memref<67108864xf32, #tpu.memory_space<hbm>> -> memref<65536xf32, #tpu.memory_space<hbm>>
        tpu.wait_dma2 semaphore(%run_scoped3A : memref<!tpu.dma_semaphore, #tpu.memory_space<semaphore_mem>>) src(%dma_wait3A_18 : memref<65536xf32, #tpu.memory_space<hbm>>) dst(%arg6 : memref<65536xf32, #tpu.memory_space<vmem>>)
        tpu.yield
      }) : () -> ()
      %parallel_loop3A = arith.constant 0 : i32
      %parallel_loop3A_15 = arith.constant 4096 : i32
      %parallel_loop3A_16 = arith.constant 1 : i32
      scf.for %parallel_loop3A_17 = %parallel_loop3A to %parallel_loop3A_15 step %parallel_loop3A_16  : i32 {
        %parallel_loop3A_18 = arith.constant 16 : i32
        %parallel_loop3A_19 = arith.muli %parallel_loop3A_17, %parallel_loop3A_18 : i32
        %parallel_loop3A_20 = tpu.assume_multiple %parallel_loop3A_19, 16 : i32
        %parallel_loop3A_21 = arith.index_cast %parallel_loop3A_20 : i32 to index
        %parallel_loop3A_22 = tpu.vector_load %arg6[%parallel_loop3A_21] {strides = array<i32>} : memref<65536xf32, #tpu.memory_space<vmem>>, vector<16xf32>,
        %parallel_loop3A_23 = arith.constant 1.16666663 : f32
        %parallel_loop3A_24 = vector.broadcast %parallel_loop3A_23 : f32 to vector<16xf32>
        %parallel_loop3A_25 = arith.mulf %parallel_loop3A_22, %parallel_loop3A_24 : vector<16xf32>
        %parallel_loop3A_26 = arith.constant 3.500000e+00 : f32
        %parallel_loop3A_27 = vector.broadcast %parallel_loop3A_26 : f32 to vector<16xf32>
        %parallel_loop3A_28 = arith.addf %parallel_loop3A_25, %parallel_loop3A_27 : vector<16xf32>
        %parallel_loop3A_29 = arith.constant 0.000000e+00 : f32
        %parallel_loop3A_30 = vector.broadcast %parallel_loop3A_29 : f32 to vector<16xf32>
        %parallel_loop3A_31 = arith.maximumf %parallel_loop3A_28, %parallel_loop3A_30 : vector<16xf32>
        %parallel_loop3A_32 = arith.constant 7.000000e+00 : f32
        %parallel_loop3A_33 = vector.broadcast %parallel_loop3A_32 : f32 to vector<16xf32>
        %parallel_loop3A_34 = arith.minimumf %parallel_loop3A_31, %parallel_loop3A_33 : vector<16xf32>
        %parallel_loop3A_35 = arith.fptosi %parallel_loop3A_34 : vector<16xf32> to vector<16xi32>
        %parallel_loop3A_36 = arith.sitofp %parallel_loop3A_35 : vector<16xi32> to vector<16xf32>
        %parallel_loop3A_37 = arith.subf %parallel_loop3A_34, %parallel_loop3A_36 : vector<16xf32>
        %parallel_loop3A_38 = arith.constant 128 : i32
        %parallel_loop3A_39 = arith.remsi %parallel_loop3A_17, %parallel_loop3A_38 : i32
        %parallel_loop3A_40 = arith.constant 128 : i32
        %parallel_loop3A_41 = arith.muli %parallel_loop3A_39, %parallel_loop3A_40 : i32
        %parallel_loop3A_42 = vector.broadcast %parallel_loop3A_41 : i32 to vector<16xi32>
        %parallel_loop3A_43 = arith.addi %mul3A_5, %parallel_loop3A_42 : vector<16xi32>
        %parallel_loop3A_44 = arith.addi %parallel_loop3A_43, %parallel_loop3A_35 : vector<16xi32>
        %parallel_loop3A_45 = tpu.vector_load_idx %arg5[%parallel_loop3A_44] : memref<16400xf32, #tpu.memory_space<vmem>>[vector<16xi32>], vector<16xf32>,
        %parallel_loop3A_46 = arith.constant 1 : i32
        %parallel_loop3A_47 = vector.broadcast %parallel_loop3A_46 : i32 to vector<16xi32>
        %parallel_loop3A_48 = arith.addi %parallel_loop3A_44, %parallel_loop3A_47 : vector<16xi32>
        %parallel_loop3A_49 = tpu.vector_load_idx %arg5[%parallel_loop3A_48] : memref<16400xf32, #tpu.memory_space<vmem>>[vector<16xi32>], vector<16xf32>,
        %parallel_loop3A_50 = arith.subf %parallel_loop3A_49, %parallel_loop3A_45 : vector<16xf32>
        %parallel_loop3A_51 = arith.mulf %parallel_loop3A_37, %parallel_loop3A_50 : vector<16xf32>
        %parallel_loop3A_52 = arith.addf %parallel_loop3A_45, %parallel_loop3A_51 : vector<16xf32>
        %parallel_loop3A_53 = arith.index_cast %parallel_loop3A_20 : i32 to index
        %parallel_loop3A_54 = tpu.vector_load %arg6[%parallel_loop3A_53] {strides = array<i32>} : memref<65536xf32, #tpu.memory_space<vmem>>, vector<16xf32>,
        tpu.vector_store %arg6[%parallel_loop3A_53], %parallel_loop3A_52 {strides = array<i32>} : memref<65536xf32, #tpu.memory_space<vmem>>, vector<16xf32>,
      } {sc.loop_unroll_factor = 8 : i64, sc.parallel_access}
      "tpu.region"() ({
        %run_scoped3A = tpu.sem_alloc : memref<!tpu.dma_semaphore, #tpu.memory_space<semaphore_mem>>
        %dma_start3A = tpu.memref_slice %arg4[%add3A_14] : memref<67108864xf32, #tpu.memory_space<hbm>> -> memref<65536xf32, #tpu.memory_space<hbm>>
        %dma_start3A_17 = tpu.memref_slice %arg4[%add3A_14] : memref<67108864xf32, #tpu.memory_space<hbm>> -> memref<65536xf32, #tpu.memory_space<hbm>>
        tpu.enqueue_dma source(%arg6 : memref<65536xf32, #tpu.memory_space<vmem>>) target(%dma_start3A_17 : memref<65536xf32, #tpu.memory_space<hbm>>) target_semaphore(%run_scoped3A : memref<!tpu.dma_semaphore, #tpu.memory_space<semaphore_mem>>)
        %dma_wait3A = tpu.memref_slice %arg4[%add3A_14] : memref<67108864xf32, #tpu.memory_space<hbm>> -> memref<65536xf32, #tpu.memory_space<hbm>>
        %dma_wait3A_18 = tpu.memref_slice %arg4[%add3A_14] : memref<67108864xf32, #tpu.memory_space<hbm>> -> memref<65536xf32, #tpu.memory_space<hbm>>
        tpu.wait_dma2 semaphore(%run_scoped3A : memref<!tpu.dma_semaphore, #tpu.memory_space<semaphore_mem>>) src(%arg6 : memref<65536xf32, #tpu.memory_space<vmem>>) dst(%dma_wait3A_18 : memref<65536xf32, #tpu.memory_space<hbm>>)
        tpu.yield
      }) : () -> ()
    }
    %scan3A_10 = arith.constant 32 : i32
    return
  }
}

</mosaic_0001>

<sc_bundles>
// kernel: kernel.3.cloned.1.call-start
scs
__scs_entry_jumppad:
0x0: {  	(pc) =	sbr.rel $0x88, $3  }
0x1: {  	(tag) =	ssettag $0x0;
	lr =	simm.s32 $0x1  }
0x2: {  	[smem:$0x3F9F] =	sst lr;
	_ =	strace $0xD0000000  }
0x3: {  	_ = 	snop  }
0x4: {  	_ = 	snop  }
0x5: {  	_ = 	snop  }
0x6: {  	_ = 	snop  }
0x7: {  	_ = 	snop  }
__scs_overlays_trampoline_lowered:
0x8: {  	[smem:$0x3FAE] =	sst s0  }
0x9: {  	[smem:$0x3FAF] =	sst s1  }
0xa: {  	[smem:$0x3FB0] =	sst s2  }
0xb: {  	[smem:$0x3FB1] =	sst s3  }
0xc: {  	[smem:$0x3FB2] =	sst s4  }
0xd: {  	[smem:$0x3FB3] =	sst s5  }
0xe: {  	[smem:$0x3FB4] =	sst s6  }
0xf: {  	[smem:$0x3FB5] =	sst s7  }
0x10: {  	[smem:$0x3FB6] =	sst s8  }
0x11: {  	[smem:$0x3FB7] =	sst s9;
	s0 =	simm.s32 @!p0 $0x0  }
0x12: {  	s1 =	sld [smem:$0x3F9D];
	s0 =	simm.s32 @p0 $0x1  }
0x13: {  	[smem:$0x3FB8] =	sst s0;
	s0 =	simm.s32 @!p1 $0x0  }
0x14: {  	s2 =	sld [smem:$0x3F9C];
	s0 =	simm.s32 @p1 $0x1  }
0x15: {  	[smem:$0x3FB9] =	sst s0;
	s0 =	simm.s32 @!p2 $0x0  }
0x16: {  	s3 =	sld [smem:$0x3FDB];
	s0 =	simm.s32 @p2 $0x1  }
0x17: {  	s4 =	simm.s32 $0x1BF5;
	[smem:$0x3FBB] =	sst s0  }
0x18: {  	s0 =	sld [smem:$0x3F9E];
	_ =	swait.ge [sflag:s4], $0x0  }
0x19: {  	s7 =	sld [smem:$0x3F9F]  }
0x1a: {  	s8 =	sadd.s32 $0xFFFFE003, lr  }
0x1b: {  	s9 =	sadd.s32 $0xFFFFFEF7, lr;
	s5 =	simm.s32 $0xFFFFFFFF;
	p2 =	slt.u32 s8, $0xFFFFF086  }
0x1c: {  	p1 =	slt.u32 s9, $0xF7A;
	s5 =	simm.s32 @!p2 $0x0  }
0x1d: {  	s5 =	simm.s32 @p1 $0x1;
	p0 =	seq.s32 s7, s2  }
0x1e: {  	s7 =	smul.u32 @!p0 $0xF7A, s2;
	p2 =	seq.s32 @!p0 s5, $0x0  }
0x1f: {  	s9 =	smul.u32 $0xF7A, s1;
	s8 =	simm.s32 @!p0 $0x1BF5;
	p2 =	por !p2, p0  }
0x20: {  	[sflag:s8] =	ssyncset.s32 @!p0 $0xFFFFF086;
	s6 =	sadd.s32 @!p0 s3, s7;
	s7 =	simm.s32 @!p0 $0x108  }
0x21: {  	s3 =	sadd.s32 s3, s9;
	s6 =	sadd.s32 @!p0 $0x88, s6;
	s7 =	simm.s32 @p2 $0x1082  }
0x22: {  	[simem:s7], [sflag:s8] =	dma.local @!p0 [hbm:s6], $0xF7A  }
0x23: {  	s9 =	sor.u32 $0xD0000000, s2;
	s6 =	simm.s32 $0x108;
	_ =	swait.ge @!p0 [sflag:s8], $0x0  }
0x24: {  	s3 =	sadd.s32 $0x88, s3;
	s6 =	simm.s32 @!p1 $0x1082;
	[sflag:s4] =	ssyncset.s32 $0xFFFFF086  }
0x25: {  	[simem:s6], [sflag:s4] =	dma.local [hbm:s3], $0xF7A  }
0x26: {  	[smem:$0x3F9F] =	sst s1;
	(tag) =	ssettag s2;
	_ =	strace s9  }
0x27: {  	s1 =	sld [smem:$0x3FAF]  }
0x28: {  	s2 =	sld [smem:$0x3FB0]  }
0x29: {  	s4 =	sld [smem:$0x3FB2]  }
0x2a: {  	p0 =	seq.s32 s5, $0x0;
	s5 =	sld [smem:$0x3FB3]  }
0x2b: {  	s6 =	sld [smem:$0x3FB4]  }
0x2c: {  	s7 =	sld [smem:$0x3FB5]  }
0x2d: {  	s3 =	simm.s32 $0x108;
	s8 =	sld [smem:$0x3FB6]  }
0x2e: {  	s3 =	simm.s32 @!p0 $0x1082;
	s9 =	sld [smem:$0x3FB7]  }
0x2f: {  	lr =	sadd.s32 s0, s3;
	s0 =	sld [smem:$0x3FAE]  }
0x30: {  	s3 =	sld [smem:$0x3FB1]  }
0x31: {  	[smem:$0x3FBA] =	sst s10  }
0x32: {  	s10 =	sld [smem:$0x3FB8];
	_ =	sdelay $0x3  }
0x33: {  	p0 =	seq.s32 s10, $0x1;
	s10 =	sld [smem:$0x3FBA];
	_ =	sdelay $0x3  }
0x34: {  	[smem:$0x3FBA] =	sst s10  }
0x35: {  	s10 =	sld [smem:$0x3FB9];
	_ =	sdelay $0x3  }
0x36: {  	p1 =	seq.s32 s10, $0x1;
	s10 =	sld [smem:$0x3FBA];
	_ =	sdelay $0x3  }
0x37: {  	[smem:$0x3FBA] =	sst s10  }
0x38: {  	s10 =	sld [smem:$0x3FBB]  }
0x39: {  	_ = 	snop;
	(pc) =	sbr.ind lr, $3  }
0x3a: {  	_ = 	snop  }
0x3b: {  	_ = 	snop  }
0x3c: {  	p2 =	seq.s32 s10, $0x1;
	s10 =	sld [smem:$0x3FBA]  }
0x3d: {  	_ =	shalt  }
0x3e: {  	_ =	shalt  }
0x3f: {  	_ =	shalt  }
0x40: {  	_ =	shalt  }
0x41: {  	_ =	shalt  }
0x42: {  	_ =	shalt  }
0x43: {  	_ =	shalt  }
0x44: {  	_ =	shalt  }
0x45: {  	_ =	shalt  }
0x46: {  	_ =	shalt  }
0x47: {  	_ =	shalt  }
0x48: {  	_ =	shalt  }
0x49: {  	_ =	shalt  }
0x4a: {  	_ =	shalt  }
0x4b: {  	_ =	shalt  }
0x4c: {  	_ =	shalt  }
0x4d: {  	_ =	shalt  }
0x4e: {  	_ =	shalt  }
0x4f: {  	_ =	shalt  }
0x50: {  	_ =	shalt  }
0x51: {  	_ =	shalt  }
0x52: {  	_ =	shalt  }
0x53: {  	_ =	shalt  }
0x54: {  	_ =	shalt  }
0x55: {  	_ =	shalt  }
0x56: {  	_ =	shalt  }
0x57: {  	_ =	shalt  }
0x58: {  	_ =	shalt  }
0x59: {  	_ =	shalt  }
0x5a: {  	_ =	shalt  }
0x5b: {  	_ =	shalt  }
0x5c: {  	_ =	shalt  }
0x5d: {  	_ =	shalt  }
0x5e: {  	_ =	shalt  }
0x5f: {  	_ =	shalt  }
0x60: {  	_ =	shalt  }
0x61: {  	_ =	shalt  }
0x62: {  	_ =	shalt  }
0x63: {  	_ =	shalt  }
0x64: {  	_ =	shalt  }
0x65: {  	_ =	shalt  }
0x66: {  	_ =	shalt  }
0x67: {  	_ =	shalt  }
0x68: {  	_ =	shalt  }
0x69: {  	_ =	shalt  }
0x6a: {  	_ =	shalt  }
0x6b: {  	_ =	shalt  }
0x6c: {  	_ =	shalt  }
0x6d: {  	_ =	shalt  }
0x6e: {  	_ =	shalt  }
0x6f: {  	_ =	shalt  }
0x70: {  	_ =	shalt  }
0x71: {  	_ =	shalt  }
0x72: {  	_ =	shalt  }
0x73: {  	_ =	shalt  }
0x74: {  	_ =	shalt  }
0x75: {  	_ =	shalt  }
0x76: {  	_ =	shalt  }
0x77: {  	_ =	shalt  }
0x78: {  	_ =	shalt  }
0x79: {  	_ =	shalt  }
0x7a: {  	_ =	shalt  }
0x7b: {  	_ =	shalt  }
0x7c: {  	_ =	shalt  }
0x7d: {  	_ =	shalt  }
0x7e: {  	_ =	shalt  }
0x7f: {  	_ =	shalt  }
0x80: {  	_ =	shalt  }
0x81: {  	_ =	shalt  }
0x82: {  	_ =	shalt  }
0x83: {  	_ =	shalt  }
0x84: {  	_ =	shalt  }
0x85: {  	_ =	shalt  }
0x86: {  	_ =	shalt  }
0x87: {  	_ =	shalt  }
.Lfunc_end0:
.L_simem_size_0:
called_computation.1_lowered:
.L_overlay_start_0:
0x88: {  	s2 =	sld [smem:$0x3FD9]  }
0x89: {  	s3 =	sld [smem:$0x3FFE];
	_ =	sdelay $0x1  }
0x8a: {  	s1 =	srdreg.scid  }
0x8b: {  	s0 =	sand.u32 $0x1, s1  }
0x8c: {  	s17 =	sshll.u32 s0, $0xA;
	s2 =	sadd.s32 s3, s2  }
0x8d: {  	s2 =	sadd.s32 s2, s17  }
0x8e: {  	[smem:$0x3FC6] =	sst s2  }
0x8f: {  	_ = 	snop  }
0x90: {  	s2 =	sld [smem:$0x3FD0];
	(tm) =	ssettm $0x1  }
0x91: {  	s18 =	sld [smem:$0x3FFB];
	_ =	sdelay $0x3  }
0x92: {  	_ =	strace s18  }
0x93: {  	s3 =	sld [smem:$0x3FFC];
	_ =	sdelay $0x3  }
0x94: {  	_ =	strace s3  }
0x95: {  	s3 =	sld [smem:$0x3FFD];
	_ =	sdelay $0x3  }
0x96: {  	_ =	strace s3  }
0x97: {  	_ =	strace $0x8FFFFFFF  }
0x98: {  	s19 =	sld [smem:$0x3FDB];
	_ =	sdelay $0x1  }
0x99: {  	s4 =	simm.s32 $_scs_section_size  }
0x9a: {  	s5 =	simm.s32 $_size__tile_overlayer_lowered;
	s6 =	simm.s32 $_tile_overlayer_lowered  }
0x9b: {  	s22 =	simm.s32 $0x1BFF;
	s21 =	sshll.u32 s6, $0x1;
	s3 =	sadd.s32 s4, s19  }
0x9c: {  	s7 =	simm.s32 $0x0;
	s20 =	sshll.u32 s5, $0x1;
	s5 =	sadd.s32 s21, s3  }
0x9d: {  	[timem:s7], [sflag:s22] =	dma.local [hbm:s5], s20  }
0x9e: {  	_ =	swait.ge [sflag:s22], s20  }
0x9f: {  	s4 =	ssub.s32 $0x0, s20;
	[sflag:s22] =	ssyncset.done $0x0  }
0xa0: {  	[sflag:s22] =	ssyncadd.s32 s4;
	_ =	sdelay $0x1  }
0xa1: {  	s23 =	simm.s32 $0x1B8B  }
0xa2: {  	_ =	swait.ge [sflag:s23], $0x1  }
0xa3: {  	[sflag:s23] =	ssyncset.done $0x0  }
0xa4: {  	s25 =	simm.s32 $0x1B8E;
	s24 =	sld [smem:$0x3FFE];
	[sflag:s23] =	ssyncadd.s32 $0xFFFFFFFF  }
0xa5: {  	s26 =	simm.s32 $execute0_lowered;
	[smem:$0x3FD2] =	sst s25  }
0xa6: {  	s5 =	sshll.u32 s26, $0x1;
	_ =	strace $0x80000049;
	[dreg:$0x1] =	wrdreg $0xFFFFFFFF  }
0xa7: {  	s28 =	simm.s32 $_size_execute0_lowered;
	s3 =	sadd.s32 s3, s5;
	[dreg:$0x0] =	wrdreg $0x0  }
0xa8: {  	s5 =	sshll.u32 s28, $0x1;
	[dreg:$0x2] =	wrdreg s3  }
0xa9: {  	[dreg:$0x3] =	wrdreg s5  }
0xaa: {  	[dreg:$0x4] =	wrdreg $0xC0  }
0xab: {  	_ =	task [dreg:s7], $0x5FFFF  }
0xac: {  	[dreg:$0x1] =	wrdreg $0xFFFFFFFF  }
0xad: {  	[dreg:$0x0] =	wrdreg $0x60  }
0xae: {  	[dreg:$0x2] =	wrdreg s2  }
0xaf: {  	[dreg:$0x3] =	wrdreg s24  }
0xb0: {  	[dreg:$0x4] =	wrdreg $0x9  }
0xb1: {  	_ =	task.clear_ibuf [dreg:s7], $0x5FFFF;
	_ =	strace $0x90000049  }
0xb2: {  	s29 =	simm.s32 $0x9;
	_ =	strace $0x8000004B  }
0xb3: {  	_ =	swait.ge [sflag:s29], $0x1  }
0xb4: {  	[sflag:s29] =	ssyncadd.s32 $0xFFFFFFFF  }
0xb5: {  	_ =	strace $0x9000004B  }
0xb6: {  	_ =	sfence  }
0xb7: {  	s30 =	sld [smem:$0x0];
	_ =	sdelay $0x2  }
0xb8: {  	s31 =	sshll.u32 s1, $0xD;
	s1 =	sshrl.u32 s1, $0x2  }
0xb9: {  	s3 =	sand.u32 $0x4000, s31;
	s1 =	sadd.s32 s1, s30  }
0xba: {  	s0 =	sor.u32 s3, s0;
	s1 =	sshll.u32 s1, $0x11  }
0xbb: {  	s0 =	sor.u32 s1, s0  }
0xbc: {  	s0 =	sadd.s32 $0x8F2B, s0  }
0xbd: {  	[sflag:s0] =	ssyncadd.remote.s32 $0x1  }
0xbe: {  	_ =	sfence.sel $0xFFFF  }
0xbf: {  	[dreg:$0x0] =	wrdreg $0xFFFFFFFF;
	(pc) =	sbr.abs _section_cstart, $3  }
0xc0: {  	[dreg:$0x1] =	wrdreg $0xFFFFFFFF  }
0xc1: {  	_ =	task.clear_ibuf [dreg:s7], $0x2FFFF;
	_ =	strace $0x9FFFFFFF  }
0xc2: {  	(tm) =	ssettm $0x7FFFFFFF  }
0xc3: {  	_ =	shalt  }
tec
execute0_lowered:
.L_overlay_start_1:
0x0: {  	(tag) =	ssettag $0x1  }
0x1: {  	s1 =	rddreg [dreg:$0x0]  }
0x2: {  	s5 =	rddreg [dreg:$0x1]  }
0x3: {  	s0 =	rddreg [dreg:$0x2]  }
0x4: {  	s2 =	simm.s32 $0x0;
	s3 =	srdreg.scid;
	s9 =	simm.s32 $0x4080  }
0x5: {  	s10 =	simm.s32 $0x0;
	[smem:$0x7FF] =	sst s2;
	s6 =	sand.u32 $0x1, s3  }
0x6: {  	v0 =	vlaneseq.u32;
	s4 =	sadd.s32 $0xA00, s5;
	s3 =	stileid.u32;
	s7 =	ssub.s32 $0x2, s6  }
0x7: {  	v0 =	vmul.u32 $0x8, v0;
	s5 =	sadd.s32 $0x1400, s5;
	_ =	strace $0x8000004A;
	s8 =	sshrl.u32 s7, $0x1  }
0x8: {  	s31 =	sshll.u32 s3, $0x13;
	s6 =	sshll.u32 s6, $0x12;
	s7 =	ssub.s32 s7, s8  }
0x9: {  	s6 =	sor.u32 s6, s31;
	v1 =	vor.u32 $0x1, v0;
	s8 =	simm.s32 $0x1;
	s7 =	smax.u32 s7, $0x1  }
.LBB2_1:
0xa: {  	[tilespmem:s2], [sflag:$0x1] =	stream.linear.gather [hbm4b:s4+s2], $0x4080, $0x38;
	[tilespmem:$0x14080] =	vst v63  }
0xb: {  	_ =	swait.ge [sflag:s8], $0x4080  }
0xc: {  	[sflag:s8] =	ssyncset.done $0x0  }
0xd: {  	s11 =	simm.s32 $0x0;
	[sflag:s8] =	ssyncadd.s32 $0xFFFFBF80  }
.LBB2_2:
0xe: {  	s12 =	sshll.u32 s11, $0xD  }
0xf: {  	s12 =	sadd.s32 s6, s12  }
0x10: {  	s14 =	simm.s32 $0x0;
	s13 =	sadd.s32 s1, s12  }
0x11: {  	[tilespmem:s9], [sflag:$0x1] =	stream.linear.gather [hbm4b:s13+s14], $0x10000, $0x38;
	[tilespmem:$0x14080] =	vst v63  }
0x12: {  	_ =	swait.ge [sflag:s8], $0x10000  }
0x13: {  	[sflag:s8] =	ssyncset.done $0x0  }
0x14: {  	s13 =	simm.s32 $0x40C0;
	[sflag:s8] =	ssyncadd.s32 $0xFFFF0000  }
0x15: {  	v2 =	vld [tilespmem:s13+$0xFFFFFFC0]  }
0x16: {  	v3 =	vld [tilespmem:s13+$0xFFFFFFD0]  }
0x17: {  	v4 =	vld [tilespmem:s13+$0xFFFFFFE0]  }
0x18: {  	v5 =	vld [tilespmem:s13+$0xFFFFFFF0]  }
0x19: {  	v6 =	vld [tilespmem:s13+$0x0]  }
0x1a: {  	v7 =	vld [tilespmem:s13+$0x10]  }
0x1b: {  	v8 =	vld [tilespmem:s13+$0x20]  }
0x1c: {  	v9 =	vld [tilespmem:s13+$0x30]  }
0x1d: {  	v2 =	vmul.f32 $1.166666630e+00, v2;
	v3 =	vmul.f32 $1.166666630e+00, v3  }
0x1e: {  	v4 =	vmul.f32 $1.166666630e+00, v4;
	v5 =	vmul.f32 $1.166666630e+00, v5  }
0x1f: {  	v6 =	vmul.f32 $1.166666630e+00, v6;
	v7 =	vmul.f32 $1.166666630e+00, v7  }
0x20: {  	v8 =	vmul.f32 $1.166666630e+00, v8;
	v2 =	vadd.f32 $3.500000000e+00, v2;
	v3 =	vadd.f32 $3.500000000e+00, v3  }
0x21: {  	v9 =	vmul.f32 $1.166666630e+00, v9;
	v4 =	vadd.f32 $3.500000000e+00, v4;
	v5 =	vadd.f32 $3.500000000e+00, v5  }
0x22: {  	v6 =	vadd.f32 $3.500000000e+00, v6;
	v7 =	vadd.f32 $3.500000000e+00, v7;
	v2 =	vmax.f32 v2, $0.0e+00  }
0x23: {  	v8 =	vadd.f32 $3.500000000e+00, v8;
	v9 =	vadd.f32 $3.500000000e+00, v9;
	v2 =	vmin.f32 v2, $7.000000000e+00  }
0x24: {  	v3 =	vmax.f32 v3, $0.0e+00;
	v4 =	vmax.f32 v4, $0.0e+00;
	v10 =	vtrunc.f32 v2  }
0x25: {  	v5 =	vmax.f32 v5, $0.0e+00;
	v6 =	vmax.f32 v6, $0.0e+00;
	v10 =	vcvt.f32.s32 v10  }
0x26: {  	s14 =	sand.u32 $0x3C00, s14;
	v7 =	vmax.f32 v7, $0.0e+00;
	v8 =	vmax.f32 v8, $0.0e+00;
	v9 =	vmax.f32 v9, $0.0e+00  }
0x27: {  	v3 =	vmin.f32 v3, $7.000000000e+00;
	v4 =	vmin.f32 v4, $7.000000000e+00;
	v11 =	vadd.s32 s14, v10  }
0x28: {  	v5 =	vmin.f32 v5, $7.000000000e+00;
	v6 =	vmin.f32 v6, $7.000000000e+00;
	v11 =	vadd.s32 v0, v11  }
0x29: {  	v7 =	vmin.f32 v7, $7.000000000e+00;
	v13 =	vtrunc.f32 v3;
	v12 =	vadd.s32 $0x1, v11  }
0x2a: {  	v8 =	vmin.f32 v8, $7.000000000e+00;
	v14 =	vtrunc.f32 v4;
	v15 =	vtrunc.f32 v5  }
0x2b: {  	v9 =	vmin.f32 v9, $7.000000000e+00;
	v16 =	vtrunc.f32 v6;
	v17 =	vtrunc.f32 v7  }
0x2c: {  	v18 =	vtrunc.f32 v8;
	v19 =	vtrunc.f32 v9  }
0x2d: {  	v13 =	vcvt.f32.s32 v13;
	v20 =	vcvt.f32.s32 v14;
	v11 =	vld.idx.msk [tilespmem:v11+s2+$0x0], $0xffff  }
0x2e: {  	s15 =	sor.u32 $0x80, s14;
	v15 =	vcvt.f32.s32 v15;
	v16 =	vcvt.f32.s32 v16;
	v12 =	vld.idx.msk [tilespmem:v12+s2+$0x0], $0xffff  }
0x2f: {  	v17 =	vcvt.f32.s32 v17;
	v18 =	vcvt.f32.s32 v18;
	v14 =	vadd.s32 s15, v13  }
0x30: {  	s23 =	sor.u32 $0x100, s14;
	s24 =	sor.u32 $0x180, s14;
	s16 =	sor.u32 $0x200, s14;
	v19 =	vcvt.f32.s32 v19;
	v10 =	vcvt.s32.f32 v10;
	v21 =	vadd.s32 v0, v14  }
0x31: {  	s17 =	sor.u32 $0x280, s14;
	s18 =	sor.u32 $0x300, s14;
	v22 =	vadd.s32 s23, v20;
	s14 =	sor.u32 $0x380, s14;
	v23 =	vadd.s32 s24, v15;
	v14 =	vadd.s32 v1, v14  }
0x32: {  	v24 =	vadd.s32 s16, v16;
	v25 =	vadd.s32 s18, v18;
	v26 =	vadd.s32 s14, v19  }
0x33: {  	s14 =	simm.s32 $0x4140;
	v2 =	vsub.f32 v2, v10;
	v10 =	vsub.f32 v12, v11;
	v12 =	vadd.s32 v0, v22  }
0x34: {  	v15 =	vcvt.s32.f32 v15;
	v16 =	vcvt.s32.f32 v16;
	v32 =	vld [tilespmem:s14+$0xFFFFFFD0];
	v22 =	vadd.s32 v1, v22  }
0x35: {  	v18 =	vcvt.s32.f32 v18;
	v27 =	vadd.s32 v0, v23;
	v21 =	vld.idx.msk [tilespmem:v21+s2+$0x0], $0xffff;
	v2 =	vmul.f32 v2, v10  }
0x36: {  	v23 =	vadd.s32 v1, v23;
	v29 =	vadd.s32 v0, v24;
	v24 =	vadd.s32 v1, v24;
	v28 =	vld.idx.msk [tilespmem:v14+s2+$0x0], $0xffff  }
0x37: {  	v11 =	vadd.f32 v2, v11;
	v2 =	vcvt.s32.f32 v13;
	v13 =	vcvt.s32.f32 v20;
	v20 =	vld [tilespmem:s14+$0xFFFFFFC0]  }
0x38: {  	v31 =	vadd.s32 v0, v26;
	v26 =	vadd.s32 v1, v26;
	v10 =	vadd.s32 s17, v17;
	v14 =	vld.idx.msk [tilespmem:v12+s2+$0x0], $0xffff  }
0x39: {  	v30 =	vadd.s32 v0, v10;
	v10 =	vadd.s32 v1, v10;
	v22 =	vld.idx.msk [tilespmem:v22+s2+$0x0], $0xffff;
	v33 =	vsub.f32 v3, v2  }
0x3a: {  	v3 =	vcvt.s32.f32 v17;
	v13 =	vsub.f32 v4, v13;
	v17 =	vld [tilespmem:s14+$0xFFFFFFE0];
	v4 =	vsub.f32 v5, v15  }
0x3b: {  	v2 =	vsub.f32 v6, v16;
	v15 =	vld [tilespmem:s14+$0xFFFFFFF0];
	v5 =	vcvt.s32.f32 v19;
	v6 =	vsub.f32 v8, v18  }
0x3c: {  	v12 =	vadd.s32 v0, v25;
	v16 =	vld [tilespmem:s14+$0x0];
	v3 =	vsub.f32 v7, v3;
	v7 =	vsub.f32 v28, v21  }
0x3d: {  	v18 =	vld [tilespmem:s14+$0x10];
	v5 =	vsub.f32 v9, v5;
	v9 =	vmul.f32 $1.166666630e+00, v32;
	v8 =	vmul.f32 $1.166666630e+00, v20  }
0x3e: {  	v25 =	vadd.s32 v1, v25;
	v20 =	vld [tilespmem:s14+$0x20];
	v19 =	vsub.f32 v22, v14;
	v7 =	vmul.f32 v33, v7  }
0x3f: {  	v9 =	vadd.f32 $3.500000000e+00, v9;
	v8 =	vadd.f32 $3.500000000e+00, v8;
	v17 =	vmul.f32 $1.166666630e+00, v17  }
0x40: {  	v22 =	vld [tilespmem:s14+$0x30];
	v57 =	vmul.f32 v13, v19;
	v13 =	vmul.f32 $1.166666630e+00, v15;
	v34 =	vadd.f32 v7, v21  }
0x41: {  	v7 =	vmax.f32 v8, $0.0e+00;
	v15 =	vadd.f32 $3.500000000e+00, v17;
	v8 =	vmul.f32 $1.166666630e+00, v16  }
0x42: {  	v16 =	vmul.f32 $1.166666630e+00, v18;
	v19 =	vmin.f32 v7, $7.000000000e+00;
	v13 =	vadd.f32 $3.500000000e+00, v13  }
0x43: {  	v21 =	vld.idx.msk [tilespmem:v23+s2+$0x0], $0xffff;
	v20 =	vmul.f32 $1.166666630e+00, v20;
	v62 =	vadd.f32 v57, v14;
	v17 =	vtrunc.f32 v19  }
0x44: {  	v7 =	vld.idx.msk [tilespmem:v27+s2+$0x0], $0xffff;
	v18 =	vadd.f32 $3.500000000e+00, v8;
	v16 =	vadd.f32 $3.500000000e+00, v16;
	v15 =	vmax.f32 v15, $0.0e+00  }
0x45: {  	v8 =	vld.idx.msk [tilespmem:v29+s2+$0x0], $0xffff;
	v23 =	vcvt.f32.s32 v17;
	v17 =	vmul.f32 $1.166666630e+00, v22;
	v22 =	vmax.f32 v9, $0.0e+00  }
0x46: {  	s15 =	simm.s32 $0x400;
	v29 =	vld.idx.msk [tilespmem:v10+s2+$0x0], $0xffff;
	v20 =	vadd.f32 $3.500000000e+00, v20;
	v13 =	vmax.f32 v13, $0.0e+00;
	v37 =	vmin.f32 v15, $7.000000000e+00  }
0x47: {  	s25 =	sand.u32 $0x3C00, s15;
	v10 =	vld.idx.msk [tilespmem:v12+s2+$0x0], $0xffff;
	v18 =	vmax.f32 v18, $0.0e+00;
	v28 =	vmax.f32 v16, $0.0e+00;
	v36 =	vmin.f32 v22, $7.000000000e+00  }
0x48: {  	v12 =	vld.idx.msk [tilespmem:v25+s2+$0x0], $0xffff;
	v41 =	vmin.f32 v13, $7.000000000e+00;
	v25 =	vtrunc.f32 v37;
	v27 =	vadd.s32 s25, v23  }
0x49: {  	v24 =	vld.idx.msk [tilespmem:v24+s2+$0x0], $0xffff;
	v17 =	vadd.f32 $3.500000000e+00, v17;
	v20 =	vmax.f32 v20, $0.0e+00;
	v16 =	vmin.f32 v18, $7.000000000e+00  }
0x4a: {  	v18 =	vtrunc.f32 v36;
	v40 =	vcvt.f32.s32 v25;
	v27 =	vadd.s32 v0, v27  }
0x4b: {  	v9 =	vld.idx.msk [tilespmem:v30+s2+$0x0], $0xffff;
	v13 =	vmin.f32 v20, $7.000000000e+00;
	v59 =	vtrunc.f32 v16;
	v22 =	vsub.f32 v21, v7  }
0x4c: {  	v39 =	vcvt.f32.s32 v18;
	v30 =	vadd.s32 $0x1, v27;
	v58 =	vmax.f32 v17, $0.0e+00  }
0x4d: {  	v17 =	vmin.f32 v28, $7.000000000e+00;
	v28 =	vtrunc.f32 v41;
	v38 =	vtrunc.f32 v13  }
0x4e: {  	s28 =	sor.u32 $0x100, s25;
	v20 =	vsub.f32 v24, v8;
	v24 =	vsub.f32 v12, v10;
	v43 =	vcvt.f32.s32 v59  }
0x4f: {  	v12 =	vcvt.s32.f32 v23;
	v23 =	vadd.s32 s28, v40;
	v63 =	vcvt.s32.f32 v40  }
0x50: {  	s26 =	sor.u32 $0x80, s25;
	v15 =	vmin.f32 v58, $7.000000000e+00;
	v35 =	vtrunc.f32 v17;
	v21 =	vsub.f32 v29, v9  }
0x51: {  	v42 =	vcvt.f32.s32 v28;
	v25 =	vadd.s32 s26, v39;
	v45 =	vcvt.f32.s32 v38;
	v27 =	vld.idx.msk [tilespmem:v27+s2+$0x0], $0xffff  }
0x52: {  	s19 =	sor.u32 $0x200, s25;
	[tilespmem:s13+$0xFFFFFFC0] =	vst v11;
	v51 =	vadd.s32 v0, v23;
	v53 =	vadd.s32 v1, v23;
	v11 =	vcvt.s32.f32 v39;
	v30 =	vld.idx.msk [tilespmem:v30+s2+$0x0], $0xffff  }
0x53: {  	v18 =	vtrunc.f32 v15;
	v44 =	vcvt.f32.s32 v35;
	v60 =	vadd.s32 s19, v43  }
0x54: {  	s29 =	sor.u32 $0x180, s25;
	v47 =	vadd.s32 v0, v25;
	v50 =	vadd.s32 v1, v25;
	v38 =	vcvt.s32.f32 v43  }
0x55: {  	s31 =	sor.u32 $0x300, s25;
	v52 =	vld.idx.msk [tilespmem:v26+s2+$0x0], $0xffff;
	v28 =	vadd.s32 s29, v42;
	v46 =	vcvt.f32.s32 v18;
	v18 =	vsub.f32 v19, v12  }
0x56: {  	v48 =	vadd.s32 s31, v45;
	v12 =	vld.idx.msk [tilespmem:v31+s2+$0x0], $0xffff;
	v29 =	vadd.s32 v0, v60;
	v42 =	vcvt.s32.f32 v42  }
0x57: {  	s30 =	sor.u32 $0x280, s25;
	v33 =	vsub.f32 v36, v11;
	v39 =	vcvt.s32.f32 v45;
	v19 =	vsub.f32 v30, v27  }
0x58: {  	s16 =	sor.u32 $0x380, s25;
	[tilespmem:s13+$0xFFFFFFD0] =	vst v34;
	v61 =	vadd.s32 s30, v44;
	v32 =	vadd.s32 v0, v28;
	v23 =	vadd.s32 v0, v48  }
0x59: {  	[tilespmem:s13+$0xFFFFFFE0] =	vst v62;
	v40 =	vcvt.s32.f32 v44;
	v49 =	vadd.s32 s16, v46;
	v18 =	vmul.f32 v18, v19  }
0x5a: {  	v26 =	vadd.s32 v0, v61;
	v25 =	vadd.s32 v1, v61;
	v14 =	vadd.s32 v1, v49;
	v11 =	vld.idx.msk [tilespmem:v51+s2+$0x0], $0xffff  }
0x5b: {  	v31 =	vld.idx.msk [tilespmem:v47+s2+$0x0], $0xffff;
	v34 =	vsub.f32 v52, v12;
	v30 =	vadd.s32 v1, v28;
	v27 =	vadd.f32 v18, v27  }
0x5c: {  	v35 =	vld.idx.msk [tilespmem:v50+s2+$0x0], $0xffff;
	v28 =	vadd.s32 v1, v60;
	v19 =	vadd.s32 v1, v48;
	v18 =	vadd.s32 v0, v49  }
0x5d: {  	s17 =	simm.s32 $0x41C0;
	s16 =	simm.s32 $0x8;
	v36 =	vld.idx.msk [tilespmem:v53+s2+$0x0], $0xffff;
	[tilespmem:s14+$0xFFFFFFC0] =	vst v27;
	v27 =	vsub.f32 v37, v63;
	v37 =	vsub.f32 v41, v42;
	v41 =	vcvt.s32.f32 v46  }
.LBB2_3:
0x5e: {  	v42 =	vld [tilespmem:s17+$0xFFFFFFC0];
	s16 =	sadd.s32 $0x8, s16;
	v16 =	vsub.f32 v16, v38;
	v17 =	vsub.f32 v17, v40;
	v22 =	vmul.f32 v4, v22  }
0x5f: {  	v13 =	vsub.f32 v13, v39;
	v20 =	vmul.f32 v2, v20;
	v38 =	vld [tilespmem:s17+$0xFFFFFFD0];
	p0 =	slt.u32 s16, $0xFF8;
	v15 =	vsub.f32 v15, v41;
	v4 =	vmovc v37  }
0x60: {  	v21 =	vmul.f32 v3, v21;
	v24 =	vmul.f32 v6, v24;
	v37 =	vld [tilespmem:s17+$0xFFFFFFE0];
	v7 =	vadd.f32 v22, v7;
	v2 =	vmovc v16  }
0x61: {  	v22 =	vsub.f32 v35, v31;
	v8 =	vadd.f32 v20, v8;
	v20 =	vmul.f32 v5, v34;
	v3 =	vmovc v17;
	v16 =	vld [tilespmem:s17+$0xFFFFFFF0]  }
0x62: {  	v6 =	vmovc v13;
	v5 =	vmov v15;
	v17 =	vld [tilespmem:s17+$0x0];
	[tilespmem:s13+$0xFFFFFFF0] =	vst v7;
	v7 =	vadd.f32 v21, v9;
	v9 =	vadd.f32 v24, v10  }
0x63: {  	v15 =	vmul.f32 v33, v22;
	v21 =	vsub.f32 v36, v11;
	v10 =	vmul.f32 $1.166666630e+00, v42;
	v13 =	vld [tilespmem:s17+$0x10];
	[tilespmem:s13+$0x0] =	vst v8  }
0x64: {  	v12 =	vadd.f32 v20, v12;
	v8 =	vmul.f32 $1.166666630e+00, v38;
	v22 =	vld [tilespmem:s17+$0x20];
	[tilespmem:s13+$0x10] =	vst v7  }
0x65: {  	v27 =	vmul.f32 v27, v21;
	v10 =	vadd.f32 $3.500000000e+00, v10;
	v20 =	vmul.f32 $1.166666630e+00, v37;
	v24 =	vld [tilespmem:s17+$0x30];
	[tilespmem:s13+$0x20] =	vst v9  }
0x66: {  	v9 =	vadd.f32 v15, v31;
	v21 =	vadd.f32 $3.500000000e+00, v8;
	v8 =	vmul.f32 $1.166666630e+00, v16;
	v7 =	vld.idx.msk [tilespmem:v32+s2+$0x0], $0xffff;
	[tilespmem:s13+$0x30] =	vst v12;
	s13 =	smov.u32 s14;
	s14 =	smov.u32 s17  }
0x67: {  	v10 =	vmax.f32 v10, $0.0e+00;
	v12 =	vadd.f32 $3.500000000e+00, v20;
	v15 =	vmul.f32 $1.166666630e+00, v17;
	v20 =	vld.idx.msk [tilespmem:v30+s2+$0x0], $0xffff  }
0x68: {  	v30 =	vmin.f32 v10, $7.000000000e+00;
	v10 =	vadd.f32 $3.500000000e+00, v8;
	v13 =	vmul.f32 $1.166666630e+00, v13;
	[tilespmem:s13+$0xFFFFFFD0] =	vst v9;
	v8 =	vld.idx.msk [tilespmem:v29+s2+$0x0], $0xffff  }
0x69: {  	v9 =	vtrunc.f32 v30;
	v15 =	vadd.f32 $3.500000000e+00, v15;
	v16 =	vmul.f32 $1.166666630e+00, v22;
	v28 =	vld.idx.msk [tilespmem:v28+s2+$0x0], $0xffff  }
0x6a: {  	s15 =	sadd.s32 $0x400, s15;
	v29 =	vcvt.f32.s32 v9;
	v13 =	vadd.f32 $3.500000000e+00, v13;
	v17 =	vmul.f32 $1.166666630e+00, v24;
	v9 =	vld.idx.msk [tilespmem:v26+s2+$0x0], $0xffff  }
0x6b: {  	s18 =	sand.u32 $0x3C00, s15;
	v21 =	vmax.f32 v21, $0.0e+00;
	v22 =	vmax.f32 v12, $0.0e+00;
	v12 =	vadd.f32 $3.500000000e+00, v16;
	v24 =	vld.idx.msk [tilespmem:v25+s2+$0x0], $0xffff  }
0x6c: {  	s19 =	sor.u32 $0x80, s18;
	s20 =	sor.u32 $0x100, s18;
	s21 =	sor.u32 $0x180, s18;
	v25 =	vmax.f32 v10, $0.0e+00;
	v16 =	vadd.s32 s18, v29;
	v17 =	vadd.f32 $3.500000000e+00, v17;
	v10 =	vld.idx.msk [tilespmem:v23+s2+$0x0], $0xffff  }
0x6d: {  	s22 =	sor.u32 $0x200, s18;
	s23 =	sor.u32 $0x280, s18;
	s24 =	sor.u32 $0x300, s18;
	v15 =	vmax.f32 v15, $0.0e+00;
	v13 =	vmax.f32 v13, $0.0e+00;
	v23 =	vadd.s32 v0, v16;
	v19 =	vld.idx.msk [tilespmem:v19+s2+$0x0], $0xffff  }
0x6e: {  	s18 =	sor.u32 $0x380, s18;
	v31 =	vmax.f32 v12, $0.0e+00;
	v26 =	vadd.s32 $0x1, v23;
	v32 =	vmax.f32 v17, $0.0e+00;
	v12 =	vld.idx.msk [tilespmem:v18+s2+$0x0], $0xffff  }
0x6f: {  	v33 =	vmin.f32 v21, $7.000000000e+00;
	v36 =	vmin.f32 v22, $7.000000000e+00;
	v37 =	vmin.f32 v25, $7.000000000e+00;
	v34 =	vld.idx.msk [tilespmem:v14+s2+$0x0], $0xffff  }
0x70: {  	v16 =	vmin.f32 v15, $7.000000000e+00;
	v17 =	vmin.f32 v13, $7.000000000e+00;
	v13 =	vmin.f32 v31, $7.000000000e+00  }
0x71: {  	v18 =	vtrunc.f32 v36;
	v14 =	vtrunc.f32 v33;
	v15 =	vmin.f32 v32, $7.000000000e+00  }
0x72: {  	v22 =	vsub.f32 v20, v7;
	v25 =	vtrunc.f32 v37;
	v31 =	vtrunc.f32 v16;
	v23 =	vld.idx.msk [tilespmem:v23+s2+$0x0], $0xffff  }
0x73: {  	v20 =	vsub.f32 v28, v8;
	v32 =	vtrunc.f32 v17;
	v35 =	vtrunc.f32 v13;
	v26 =	vld.idx.msk [tilespmem:v26+s2+$0x0], $0xffff  }
0x74: {  	v38 =	vcvt.f32.s32 v14;
	v14 =	vtrunc.f32 v15;
	v21 =	vsub.f32 v24, v9  }
0x75: {  	v40 =	vcvt.f32.s32 v25;
	v39 =	vcvt.f32.s32 v18;
	v24 =	vsub.f32 v19, v10  }
0x76: {  	v41 =	vcvt.f32.s32 v31;
	v42 =	vcvt.f32.s32 v32;
	v18 =	vadd.s32 s19, v38  }
0x77: {  	v43 =	vcvt.f32.s32 v35;
	v25 =	vadd.s32 s20, v39;
	v19 =	vcvt.s32.f32 v29  }
0x78: {  	v28 =	vadd.s32 s21, v40;
	v31 =	vadd.s32 s22, v41;
	v44 =	vcvt.f32.s32 v14  }
0x79: {  	v35 =	vadd.s32 s23, v42;
	v14 =	vsub.f32 v30, v19;
	v19 =	vsub.f32 v26, v23  }
0x7a: {  	v46 =	vadd.s32 s24, v43;
	v45 =	vadd.s32 v0, v18;
	v47 =	vadd.s32 s18, v44  }
0x7b: {  	v49 =	vadd.s32 v0, v25;
	v48 =	vadd.s32 v1, v18;
	v14 =	vmul.f32 v14, v19  }
0x7c: {  	v32 =	vadd.s32 v0, v28;
	v50 =	vadd.s32 v1, v25;
	v30 =	vadd.s32 v1, v28  }
0x7d: {  	v29 =	vadd.s32 v0, v31;
	v28 =	vadd.s32 v1, v31;
	v14 =	vadd.f32 v14, v23  }
0x7e: {  	v25 =	vadd.s32 v1, v35;
	v26 =	vadd.s32 v0, v35;
	v23 =	vadd.s32 v0, v46  }
.Ltmp0:
0x7f: {  	v18 =	vadd.s32 v0, v47;
	v19 =	vadd.s32 v1, v46;
	[tilespmem:s17+$0xFFFFFFC0] =	vst v14;
	v14 =	vadd.s32 v1, v47;
	(pc) =	sbr.rel @p0 .LBB2_3-.Ltmp0, $4  }
0x80: {  	v34 =	vsub.f32 v34, v12;
	v46 =	vcvt.s32.f32 v38;
	v31 =	vld.idx.msk [tilespmem:v45+s2+$0x0], $0xffff;
	v45 =	vcvt.s32.f32 v39  }
0x81: {  	v38 =	vcvt.s32.f32 v41;
	v47 =	vcvt.s32.f32 v40;
	v35 =	vld.idx.msk [tilespmem:v48+s2+$0x0], $0xffff;
	v48 =	vadd.f32 v27, v11  }
0x82: {  	v33 =	vsub.f32 v33, v46;
	v40 =	vcvt.s32.f32 v42;
	v39 =	vcvt.s32.f32 v43;
	v11 =	vld.idx.msk [tilespmem:v49+s2+$0x0], $0xffff  }
0x83: {  	v41 =	vcvt.s32.f32 v44;
	s17 =	sadd.s32 $0x80, s17;
	v37 =	vsub.f32 v37, v47;
	v27 =	vsub.f32 v36, v45;
	v36 =	vld.idx.msk [tilespmem:v50+s2+$0x0], $0xffff;
	[tilespmem:s13+$0xFFFFFFE0] =	vst v48  }
0x84: {  	_ =	sdelay $0x3  }
0x85: {  	v32 =	vld.idx.msk [tilespmem:v32+s2+$0x0], $0xffff  }
0x86: {  	v30 =	vld.idx.msk [tilespmem:v30+s2+$0x0], $0xffff  }
0x87: {  	v29 =	vld.idx.msk [tilespmem:v29+s2+$0x0], $0xffff  }
0x88: {  	v28 =	vld.idx.msk [tilespmem:v28+s2+$0x0], $0xffff  }
0x89: {  	v26 =	vld.idx.msk [tilespmem:v26+s2+$0x0], $0xffff  }
0x8a: {  	v16 =	vsub.f32 v16, v38;
	v17 =	vsub.f32 v17, v40;
	v4 =	vmul.f32 v4, v22;
	v49 =	vld.idx.msk [tilespmem:v25+s2+$0x0], $0xffff  }
0x8b: {  	v13 =	vsub.f32 v13, v39;
	v2 =	vmul.f32 v2, v20;
	v50 =	vld.idx.msk [tilespmem:v23+s2+$0x0], $0xffff;
	v3 =	vmul.f32 v3, v21  }
0x8c: {  	v6 =	vmul.f32 v6, v24;
	v51 =	vld.idx.msk [tilespmem:v19+s2+$0x0], $0xffff;
	v15 =	vsub.f32 v15, v41;
	v4 =	vadd.f32 v4, v7  }
0x8d: {  	v5 =	vmul.f32 v5, v34;
	v53 =	vld.idx.msk [tilespmem:v18+s2+$0x0], $0xffff;
	v52 =	vsub.f32 v35, v31;
	v2 =	vadd.f32 v2, v8  }
0x8e: {  	v55 =	vld.idx.msk [tilespmem:v14+s2+$0x0], $0xffff;
	v3 =	vadd.f32 v3, v9;
	[tilespmem:s13+$0xFFFFFFF0] =	vst v4;
	v54 =	vsub.f32 v36, v11  }
0x8f: {  	v6 =	vadd.f32 v6, v10;
	v56 =	vmul.f32 v33, v52;
	[tilespmem:s13+$0x0] =	vst v2;
	v2 =	vsub.f32 v30, v32  }
0x90: {  	[tilespmem:s13+$0x10] =	vst v3;
	v3 =	vadd.f32 v5, v12;
	v57 =	vsub.f32 v28, v29;
	v4 =	vmul.f32 v27, v54  }
0x91: {  	[tilespmem:s13+$0x20] =	vst v6;
	v59 =	vsub.f32 v49, v26;
	v58 =	vadd.f32 v56, v31;
	v2 =	vmul.f32 v37, v2  }
0x92: {  	[tilespmem:s13+$0x30] =	vst v3;
	v3 =	vsub.f32 v51, v50;
	v5 =	vmul.f32 v16, v57;
	v4 =	vadd.f32 v4, v11  }
0x93: {  	v60 =	vsub.f32 v55, v53;
	v61 =	vmul.f32 v17, v59;
	[tilespmem:s14+$0xFFFFFFD0] =	vst v58;
	v2 =	vadd.f32 v2, v32  }
0x94: {  	v3 =	vmul.f32 v13, v3;
	v62 =	vadd.f32 v5, v29;
	[tilespmem:s14+$0xFFFFFFE0] =	vst v4  }
0x95: {  	v63 =	vmul.f32 v15, v60;
	[tilespmem:s14+$0xFFFFFFF0] =	vst v2;
	v2 =	vadd.f32 v61, v26  }
0x96: {  	v3 =	vadd.f32 v3, v50;
	[tilespmem:s14+$0x0] =	vst v62  }
0x97: {  	s11 =	sadd.s32 $0x1, s11;
	[tilespmem:s14+$0x10] =	vst v2;
	v2 =	vadd.f32 v63, v53  }
0x98: {  	p0 =	sne.s32 s11, $0x20;
	[tilespmem:s14+$0x20] =	vst v3  }
.Ltmp1:
0x99: {  	s12 =	sadd.s32 s5, s12;
	[tilespmem:s14+$0x30] =	vst v2;
	(pc) =	sbr.rel @p0 .LBB2_2-.Ltmp1, $4  }
0x9a: {  	[hbm4b:s12+s2] =	stream.linear.scatter [tilespmem:s9], [sflag:$0x1], $0x10000, $0x38;
	[tilespmem:$0x14080] =	vst v63  }
0x9b: {  	_ =	swait.ge [sflag:s8], $0x10000  }
0x9c: {  	[sflag:s8] =	ssyncset.done $0x0  }
0x9d: {  	[sflag:s8] =	ssyncadd.s32 $0xFFFF0000  }
0x9e: {  	s10 =	sadd.s32 $0x1, s10  }
0x9f: {  	p0 =	sne.s32 s10, s7  }
.Ltmp2:
0xa0: {  	_ = 	snop;
	(pc) =	sbr.rel @p0 .LBB2_1-.Ltmp2, $1  }
0xa1: {  	_ =	sdelay $0x3  }
0xa2: {  	_ =	sfence.sel $0x180000  }
0xa3: {  	[bflag:$0x0] =	sbarrier.arrive $0xFFFF  }
0xa4: {  	p0 =	sne.s32 s3, $0x0;
	_ =	strace $0x9000004A  }
0xa5: {  	s0 =	sadd.s32 @!p0 $0x100000, s0;
	[bflag:$0x2] =	sbarrier.arrive $0xFFFF  }
0xa6: {  	[sflag:s0] =	ssyncadd.tile.s32 @!p0 $0x1;
	_ =	shalt  }
.Lfunc_end2:
_tile_overlayer_lowered:
.L_overlay_start_2:
0xa7: {  	(tag) =	ssettag $0x2  }
0xa8: {  	s0 =	rddreg [dreg:$0x0];
	s2 =	stileid.u32  }
0xa9: {  	s1 =	rddreg [dreg:$0x1];
	p0 =	sne.s32 s2, $0x0  }
0xaa: {  	s3 =	rddreg [dreg:$0x2];
	[bflag:$0x3] =	sbarrier.arrive $0xFFFF;
	s2 =	simm.s32 @!p0 $0x1C01  }
0xab: {  	[timem:s3], [sflag:s2] =	dma.local @!p0 [hbm:s0], s1  }
0xac: {  	s0 =	simm.s32 @!p0 $0x1  }
0xad: {  	_ =	swait.ge @!p0 [sflag:s0], s1  }
0xae: {  	s1 =	ssub.s32 @!p0 $0x0, s1;
	[sflag:s0] =	ssyncset.done @!p0 $0x0  }
0xaf: {  	[sflag:s0] =	ssyncadd.s32 @!p0 s1  }
0xb0: {  	[bflag:$0x3] =	sbarrier.arrive $0xFFFF  }
0xb1: {  	_ =	shalt  }

// kernel: sparse-core-data-format-call.cloned.1.call-start
scs
called_computation_lowered:
.L_overlay_start_0:
0x0: {  	s2 =	sld [smem:$0x3FD9]  }
0x1: {  	s3 =	sld [smem:$0x3FFE];
	_ =	sdelay $0x1  }
0x2: {  	s1 =	srdreg.scid  }
0x3: {  	s0 =	sand.u32 $0x1, s1  }
0x4: {  	s19 =	sshll.u32 s0, $0xA;
	s2 =	sadd.s32 s3, s2  }
0x5: {  	s2 =	sadd.s32 s2, s19  }
0x6: {  	[smem:$0x3FC6] =	sst s2  }
0x7: {  	_ = 	snop  }
0x8: {  	s2 =	sld [smem:$0x3FC9]  }
0x9: {  	s20 =	sld [smem:$0x3FD0];
	(tm) =	ssettm $0x1  }
0xa: {  	s4 =	sld [smem:$0x3FFB];
	_ =	sdelay $0x3  }
0xb: {  	_ =	strace s4  }
0xc: {  	s4 =	sld [smem:$0x3FFC];
	_ =	sdelay $0x3  }
0xd: {  	_ =	strace s4  }
0xe: {  	s4 =	sld [smem:$0x3FFD];
	_ =	sdelay $0x3  }
0xf: {  	_ =	strace s4  }
0x10: {  	_ =	strace $0x8FFFFFFF  }
0x11: {  	s21 =	sld [smem:$0x3FDB];
	_ =	sdelay $0x1  }
0x12: {  	s5 =	simm.s32 $_scs_section_size  }
0x13: {  	s6 =	simm.s32 $_size__tile_overlayer_lowered;
	s7 =	simm.s32 $_tile_overlayer_lowered  }
0x14: {  	s24 =	simm.s32 $0x1BFF;
	s23 =	sshll.u32 s7, $0x1;
	s4 =	sadd.s32 s5, s21  }
0x15: {  	s8 =	simm.s32 $0x0;
	s22 =	sshll.u32 s6, $0x1;
	s6 =	sadd.s32 s23, s4  }
0x16: {  	[timem:s8], [sflag:s24] =	dma.local [hbm:s6], s22  }
0x17: {  	_ =	swait.ge [sflag:s24], s22  }
0x18: {  	s5 =	ssub.s32 $0x0, s22;
	[sflag:s24] =	ssyncset.done $0x0  }
0x19: {  	[sflag:s24] =	ssyncadd.s32 s5;
	_ =	sdelay $0x1  }
0x1a: {  	s25 =	simm.s32 $0x1B8B  }
0x1b: {  	_ =	swait.ge [sflag:s25], $0x1  }
0x1c: {  	[sflag:s25] =	ssyncset.done $0x0  }
0x1d: {  	s26 =	simm.s32 $0x1B8E;
	[sflag:s25] =	ssyncadd.s32 $0xFFFFFFFF  }
0x1e: {  	s27 =	simm.s32 $execute0_lowered;
	[smem:$0x3FD2] =	sst s26  }
0x1f: {  	s5 =	sshll.u32 s27, $0x1;
	_ =	strace $0x80000046;
	[dreg:$0x1] =	wrdreg $0xFFFFFFFF  }
0x20: {  	s28 =	simm.s32 $_size_execute0_lowered;
	s4 =	sadd.s32 s4, s5;
	[dreg:$0x0] =	wrdreg $0x0  }
0x21: {  	s5 =	sshll.u32 s28, $0x1;
	[dreg:$0x2] =	wrdreg s4  }
0x22: {  	[dreg:$0x3] =	wrdreg s5  }
0x23: {  	[dreg:$0x4] =	wrdreg $0xC0  }
0x24: {  	_ =	task [dreg:s8], $0x5FFFF  }
0x25: {  	[dreg:$0x1] =	wrdreg $0xFFFFFFFF  }
0x26: {  	[dreg:$0x0] =	wrdreg $0x60  }
0x27: {  	[dreg:$0x2] =	wrdreg s2  }
0x28: {  	[dreg:$0x3] =	wrdreg s20  }
0x29: {  	[dreg:$0x4] =	wrdreg $0x9  }
0x2a: {  	_ =	task.clear_ibuf [dreg:s8], $0x5FFFF;
	_ =	strace $0x90000046  }
0x2b: {  	s29 =	simm.s32 $0x9;
	_ =	strace $0x80000048  }
0x2c: {  	_ =	swait.ge [sflag:s29], $0x1  }
0x2d: {  	[sflag:s29] =	ssyncadd.s32 $0xFFFFFFFF  }
0x2e: {  	_ =	strace $0x90000048  }
0x2f: {  	_ =	sfence  }
0x30: {  	s30 =	sld [smem:$0x0];
	_ =	sdelay $0x2  }
0x31: {  	s31 =	sshll.u32 s1, $0xD;
	s1 =	sshrl.u32 s1, $0x2  }
0x32: {  	s3 =	sand.u32 $0x4000, s31;
	s1 =	sadd.s32 s1, s30  }
0x33: {  	s0 =	sor.u32 s3, s0;
	s1 =	sshll.u32 s1, $0x11  }
0x34: {  	s0 =	sor.u32 s1, s0  }
0x35: {  	s0 =	sadd.s32 $0x8F2B, s0  }
0x36: {  	[sflag:s0] =	ssyncadd.remote.s32 $0x1  }
0x37: {  	_ =	sfence.sel $0xFFFF  }
0x38: {  	[dreg:$0x0] =	wrdreg $0xFFFFFFFF;
	(pc) =	sbr.abs _section_cstart, $3  }
0x39: {  	[dreg:$0x1] =	wrdreg $0xFFFFFFFF  }
0x3a: {  	_ =	task.clear_ibuf [dreg:s8], $0x2FFFF;
	_ =	strace $0x9FFFFFFF  }
0x3b: {  	(tm) =	ssettm $0x7FFFFFFF  }
tec
execute0_lowered:
.L_overlay_start_1:
0x0: {  	(tag) =	ssettag $0x1  }
0x1: {  	s2 =	rddreg [dreg:$0x0]  }
0x2: {  	s3 =	rddreg [dreg:$0x1]  }
0x3: {  	s0 =	rddreg [dreg:$0x2];
	s4 =	srdreg.scid  }
.Ltmp0:
0x4: {  	_ =	strace $0x80000047;
	s1 =	stileid.u32;
	(pc) =	sbr.rel .LBB1_1-.Ltmp0, $4  }
0x5: {  	s6 =	simm.s32 $0x2;
	p0 =	por $0x0, $0x0;
	s5 =	sshll.u32 s4, $0x4  }
0x6: {  	s9 =	simm.s32 $0x0;
	s4 =	simm.s32 $0x1;
	s5 =	sand.u32 $0x10, s5  }
0x7: {  	s7 =	simm.s32 $0x0;
	[sflag:s4] =	ssyncpa.u1 $0x0;
	s5 =	sor.u32 s1, s5  }
0x8: {  	[sflag:s6] =	ssyncpa.u1 $0x0;
	s6 =	simm.s32 $0x0;
	s8 =	smov.u32 s5  }
.LBB1_7:
0x9: {  	s11 =	sadd.s32 $0x20, s8  }
0xa: {  	p1 =	slt.u32 s7, $0x2;
	s7 =	sadd.s32 $0x1, s7;
	p2 =	sgt.s32 s11, $0xFFF  }
0xb: {  	s11 =	smov.u32 @p2 s5;
	p2 =	sne.s32 s7, $0x82  }
.Ltmp1:
0xc: {  	_ = 	snop;
	(pc) =	sbr.rel @!p2 .LBB1_8-.Ltmp1, $4  }
0xd: {  	s10 =	simm.s32 @!p1 $0x2  }
0xe: {  	_ =	swait.ge @!p1 [sflag:s10], $0x4000  }
0xf: {  	s9 =	smov.u32 s8;
	[sflag:s10] =	ssyncset.done @!p1 $0x0  }
0x10: {  	p0 =	por !p0, !p0;
	s8 =	smov.u32 s11;
	[sflag:s10] =	ssyncadd.s32 @!p1 $0xFFFFC000  }
.LBB1_1:
0x11: {  	p1 =	sgt.u32 s7, $0x7F  }
0x12: {  	s10 =	sxor.u32 @!p1 $0xFFFFFFFF, s7  }
0x13: {  	s11 =	sshll.u32 @!p1 s8, $0xB;
	s10 =	sshll.u32 @!p1 s10, $0xE  }
0x14: {  	s12 =	simm.s32 @!p1 $0x0;
	s11 =	sadd.s32 @!p1 s2, s11;
	s10 =	sand.u32 @!p1 $0x4000, s10  }
0x15: {  	[tilespmem:s10], [sflag:$0x1] =	stream.linear.gather @!p1 [hbm4b:s11+s12], $0x4000, $0x38;
	[tilespmem:$0x10000] =	vst v63  }
0x16: {  	p1 =	seq.s32 s7, $0x0  }
0x17: {  	p2 =	seq.s32 @!p1 s7, $0x81  }
0x18: {  	p1 =	por p1, p2  }
.Ltmp2:
0x19: {  	_ = 	snop;
	(pc) =	sbr.rel @p1 .LBB1_7-.Ltmp2, $1  }
0x1a: {  	_ =	sdelay $0x3  }
0x1b: {  	s10 =	simm.s32 $0x1;
	_ =	swait.ge [sflag:s4], $0x4000;
	s12 =	sshll.u32 s7, $0xE  }
0x1c: {  	s13 =	simm.s32 $0x0;
	s10 =	simm.s32 @!p0 $0x0;
	[sflag:s4] =	ssyncset.done $0x0  }
0x1d: {  	s12 =	sand.u32 $0x4000, s12;
	s11 =	sshll.u32 s10, $0xE;
	[sflag:s4] =	ssyncadd.s32 $0xFFFFC000  }
0x1e: {  	s12 =	sor.u32 $0x8000, s12;
	s10 =	sor.u32 $0x8040, s11;
	s11 =	sor.u32 $0x40, s11  }
.LBB1_3:
0x1f: {  	v0 =	vmov s11;
	_ =	sdelay $0x3  }
0x20: {  	s15 =	simm.s32 $0x0  }
0x21: {  	v6 =	vld.idx.msk [tilespmem:v0+s15+$0x30 ss:$0x1], $0xffff  }
0x22: {  	v7 =	vld.idx.msk [tilespmem:v0+s15+$0xFFFFFFC0 ss:$0x1], $0xffff  }
0x23: {  	v5 =	vld.idx.msk [tilespmem:v0+s15+$0xFFFFFFD0 ss:$0x1], $0xffff  }
0x24: {  	v4 =	vld.idx.msk [tilespmem:v0+s15+$0xFFFFFFE0 ss:$0x1], $0xffff  }
0x25: {  	v3 =	vld.idx.msk [tilespmem:v0+s15+$0xFFFFFFF0 ss:$0x1], $0xffff  }
0x26: {  	v1 =	vld.idx.msk [tilespmem:v0+s15+$0x0 ss:$0x1], $0xffff  }
0x27: {  	v2 =	vld.idx.msk [tilespmem:v0+s15+$0x10 ss:$0x1], $0xffff;
	[tilespmem:s10+$0x30] =	vst v6  }
0x28: {  	s14 =	simm.s32 $0x80;
	s16 =	simm.s32 $0x400;
	[tilespmem:s10+$0xFFFFFFC0] =	vst v7;
	v6 =	vld.idx.msk [tilespmem:v0+s15+$0x20 ss:$0x1], $0xffff;
	s15 =	smov.u32 s10  }
.LBB1_4:
0x29: {  	p1 =	sne.s32 s16, $0xE00;
	v7 =	vld.idx.msk [tilespmem:v0+s14+$0x30 ss:$0x1], $0xffff;
	[tilespmem:s15+$0xFFFFFFD0] =	vst v5  }
0x2a: {  	v8 =	vld.idx.msk [tilespmem:v0+s14+$0xFFFFFFC0 ss:$0x1], $0xffff;
	[tilespmem:s15+$0xFFFFFFE0] =	vst v4  }
0x2b: {  	v5 =	vld.idx.msk [tilespmem:v0+s14+$0xFFFFFFD0 ss:$0x1], $0xffff;
	[tilespmem:s15+$0xFFFFFFF0] =	vst v3  }
.Ltmp3:
0x2c: {  	v4 =	vld.idx.msk [tilespmem:v0+s14+$0xFFFFFFE0 ss:$0x1], $0xffff;
	[tilespmem:s15+$0x0] =	vst v1;
	(pc) =	sbr.rel @p1 .LBB1_4-.Ltmp3, $4  }
0x2d: {  	v3 =	vld.idx.msk [tilespmem:v0+s14+$0xFFFFFFF0 ss:$0x1], $0xffff;
	[tilespmem:s15+$0x10] =	vst v2  }
0x2e: {  	v1 =	vld.idx.msk [tilespmem:v0+s14+$0x0 ss:$0x1], $0xffff;
	[tilespmem:s15+$0x20] =	vst v6;
	s15 =	sadd.s32 $0x800, s15  }
0x2f: {  	v2 =	vld.idx.msk [tilespmem:v0+s14+$0x10 ss:$0x1], $0xffff;
	[tilespmem:s15+$0x30] =	vst v7  }
0x30: {  	[tilespmem:s15+$0xFFFFFFC0] =	vst v8;
	v6 =	vld.idx.msk [tilespmem:v0+s14+$0x20 ss:$0x1], $0xffff;
	s14 =	sshra.s32 s16, $0x2;
	s16 =	sadd.s32 $0x200, s16  }
0x31: {  	_ =	sdelay $0x2  }
0x32: {  	[tilespmem:s15+$0xFFFFFFD0] =	vst v5  }
0x33: {  	v56 =	vld.idx.msk [tilespmem:v0+s14+$0x30 ss:$0x1], $0xffff;
	[tilespmem:s15+$0xFFFFFFE0] =	vst v4  }
0x34: {  	v57 =	vld.idx.msk [tilespmem:v0+s14+$0xFFFFFFC0 ss:$0x1], $0xffff;
	[tilespmem:s15+$0xFFFFFFF0] =	vst v3  }
0x35: {  	v58 =	vld.idx.msk [tilespmem:v0+s14+$0xFFFFFFD0 ss:$0x1], $0xffff;
	[tilespmem:s15+$0x0] =	vst v1  }
0x36: {  	v59 =	vld.idx.msk [tilespmem:v0+s14+$0xFFFFFFE0 ss:$0x1], $0xffff;
	[tilespmem:s15+$0x10] =	vst v2  }
0x37: {  	v60 =	vld.idx.msk [tilespmem:v0+s14+$0xFFFFFFF0 ss:$0x1], $0xffff;
	s31 =	sadd.s32 $0x800, s15;
	[tilespmem:s15+$0x20] =	vst v6  }
0x38: {  	v61 =	vld.idx.msk [tilespmem:v0+s14+$0x0 ss:$0x1], $0xffff;
	[tilespmem:s31+$0x30] =	vst v56  }
0x39: {  	v62 =	vld.idx.msk [tilespmem:v0+s14+$0x10 ss:$0x1], $0xffff;
	s13 =	sadd.s32 $0x1, s13;
	[tilespmem:s31+$0xFFFFFFC0] =	vst v57  }
0x3a: {  	v63 =	vld.idx.msk [tilespmem:v0+s14+$0x20 ss:$0x1], $0xffff;
	p1 =	sne.s32 s13, $0x10;
	[tilespmem:s31+$0xFFFFFFD0] =	vst v58  }
.Ltmp4:
0x3b: {  	[tilespmem:s31+$0xFFFFFFE0] =	vst v59;
	(pc) =	sbr.rel @p1 .LBB1_3-.Ltmp4, $4  }
0x3c: {  	[tilespmem:s31+$0xFFFFFFF0] =	vst v60  }
0x3d: {  	[tilespmem:s31+$0x0] =	vst v61  }
0x3e: {  	[tilespmem:s31+$0x10] =	vst v62  }
0x3f: {  	s10 =	sadd.s32 $0x80, s10;
	s11 =	sadd.s32 $0x400, s11;
	[tilespmem:s31+$0x20] =	vst v63  }
.Ltmp5:
0x40: {  	(pc) =	sbr.rel .LBB1_7-.Ltmp5, $4  }
0x41: {  	_ = 	snop  }
0x42: {  	s9 =	sshll.u32 s9, $0xB  }
0x43: {  	s9 =	sadd.s32 s3, s9  }
0x44: {  	[hbm4b:s9+s6] =	stream.linear.scatter [tilespmem:s12], [sflag:$0x2], $0x4000, $0x38;
	[tilespmem:$0x10000] =	vst v63  }
.LBB1_8:
0x45: {  	_ =	sfence.sel $0x180000  }
0x46: {  	s2 =	simm.s32 $0x1;
	[bflag:$0x0] =	sbarrier.arrive $0xFFFF  }
0x47: {  	s31 =	simm.s32 $0x2;
	[sflag:s2] =	ssyncpa.u1 $0x1  }
0x48: {  	[sflag:s31] =	ssyncpa.u1 $0x1  }
0x49: {  	p0 =	sne.s32 s1, $0x0;
	_ =	strace $0x90000047  }
0x4a: {  	s0 =	sadd.s32 @!p0 $0x100000, s0;
	[bflag:$0x2] =	sbarrier.arrive $0xFFFF  }
0x4b: {  	[sflag:s0] =	ssyncadd.tile.s32 @!p0 $0x1;
	_ =	shalt  }
.Lfunc_end1:
_tile_overlayer_lowered:
.L_overlay_start_2:
0x4c: {  	(tag) =	ssettag $0x2  }
0x4d: {  	s0 =	rddreg [dreg:$0x0];
	s2 =	stileid.u32  }
0x4e: {  	s1 =	rddreg [dreg:$0x1];
	p0 =	sne.s32 s2, $0x0  }
0x4f: {  	s3 =	rddreg [dreg:$0x2];
	[bflag:$0x3] =	sbarrier.arrive $0xFFFF;
	s2 =	simm.s32 @!p0 $0x1C01  }
0x50: {  	[timem:s3], [sflag:s2] =	dma.local @!p0 [hbm:s0], s1  }
0x51: {  	s0 =	simm.s32 @!p0 $0x1  }
0x52: {  	_ =	swait.ge @!p0 [sflag:s0], s1  }
0x53: {  	s1 =	ssub.s32 @!p0 $0x0, s1;
	[sflag:s0] =	ssyncset.done @!p0 $0x0  }
0x54: {  	[sflag:s0] =	ssyncadd.s32 @!p0 s1  }
0x55: {  	[bflag:$0x3] =	sbarrier.arrive $0xFFFF  }
0x56: {  	_ =	shalt  }

</sc_bundles>
